<compile_context>
chip_gen: v7x
topology: tpu7x:2x2x1
jax: 0.10.2.dev20260603
libtpu: 0.0.44.dev20260713+nightly
codegen_flags: <defaults>
</compile_context>

<pallas_src>
import functools

import jax
import jax.numpy as jnp
from jax import lax
from jax.experimental import pallas as pl
from jax.experimental.pallas import tpu as pltpu
from jax.experimental.pallas import tpu_sc as plsc

NC = 2
NS = 16
NW = NC * NS


@functools.partial(jax.jit, static_argnames=("n", "d", "e", "ch"))
def _sc_aggregate(x, src, dst, zeros, *, n, d, e, ch):
    per_w = e // NW
    n_ch = per_w // ch
    rows_a = (n // NS) // 8 * 8
    rows_last = n - (NS - 1) * rows_a

    src_r = src.reshape(NW, n_ch, ch)
    dst_r = dst.reshape(NW, n_ch, ch)

    mesh = plsc.VectorSubcoreMesh(core_axis_name="c", subcore_axis_name="s")

    @functools.partial(
        pl.kernel,
        mesh=mesh,
        out_type=[
            jax.ShapeDtypeStruct((n, d), jnp.float32),
            jax.ShapeDtypeStruct((n, d), jnp.float32),
        ],
        scratch_types=[
            pltpu.VMEM((n_ch, ch), jnp.int32),
            pltpu.VMEM((n_ch, ch), jnp.int32),
            pltpu.VMEM((ch, d), jnp.float32),
            pltpu.VMEM_SHARED((n, d), jnp.float32),
            pltpu.SemaphoreType.DMA,
        ],
    )
    def agg_k(x_hbm, src_hbm, dst_hbm, z_hbm, out0, out1, src_v, dst_v,
              rows_v, acc_sh, sem):
        c = lax.axis_index("c")
        s = lax.axis_index("s")
        wid = c * NS + s

        @pl.when(s < NS - 1)
        def _():
            pltpu.sync_copy(z_hbm.at[pl.ds(0, rows_a)],
                            acc_sh.at[pl.ds(s * rows_a, rows_a)])

        @pl.when(s == NS - 1)
        def _():
            pltpu.sync_copy(z_hbm,
                            acc_sh.at[pl.ds((NS - 1) * rows_a, rows_last)])

        pltpu.sync_copy(src_hbm.at[wid], src_v)
        pltpu.sync_copy(dst_hbm.at[wid], dst_v)
        plsc.subcore_barrier()

        def body(t, carry):
            pltpu.async_copy(x_hbm.at[src_v.at[t]], rows_v, sem).wait()
            pltpu.sync_copy(rows_v, acc_sh.at[dst_v.at[t]], add=True)
            return carry

        lax.fori_loop(0, n_ch, body, 0)
        plsc.subcore_barrier()

        sl_a = pl.ds(s * rows_a, rows_a)
        sl_l = pl.ds((NS - 1) * rows_a, rows_last)

        @pl.when((c == 0) & (s < NS - 1))
        def _():
            pltpu.sync_copy(acc_sh.at[sl_a], out0.at[sl_a])

        @pl.when((c == 0) & (s == NS - 1))
        def _():
            pltpu.sync_copy(acc_sh.at[sl_l], out0.at[sl_l])

        @pl.when((c == 1) & (s < NS - 1))
        def _():
            pltpu.sync_copy(acc_sh.at[sl_a], out1.at[sl_a])

        @pl.when((c == 1) & (s == NS - 1))
        def _():
            pltpu.sync_copy(acc_sh.at[sl_l], out1.at[sl_l])

    return agg_k(x, src_r, dst_r, zeros)


def _tc_mlp(x, p0, p1, eps, w1, b1, w2, b2, scale, beta, w3=None, b3=None,
            blk=1000):
    n, d = x.shape
    h = w1.shape[1]
    has_lin = w3 is not None
    grid = (n // blk,)

    def body(*refs):
        if has_lin:
            (eps_ref, x_ref, p0_ref, p1_ref, w1_ref, b1_ref, w2_ref, b2_ref,
             sc_ref, be_ref, w3_ref, b3_ref, o_ref) = refs
        else:
            (eps_ref, x_ref, p0_ref, p1_ref, w1_ref, b1_ref, w2_ref, b2_ref,
             sc_ref, be_ref, o_ref) = refs
        hh = (1.0 + eps_ref[0, 0]) * x_ref[...] + p0_ref[...] + p1_ref[...]
        hh = jnp.dot(hh, w1_ref[...], preferred_element_type=jnp.float32)
        hh = jnp.maximum(hh + b1_ref[...], 0.0)
        hh = jnp.dot(hh, w2_ref[...], preferred_element_type=jnp.float32)
        hh = jnp.maximum(hh + b2_ref[...], 0.0)
        hh = hh * sc_ref[...] + be_ref[...]
        if has_lin:
            hh = jnp.dot(hh, w3_ref[...], preferred_element_type=jnp.float32)
            hh = jnp.maximum(hh + b3_ref[...], 0.0)
        o_ref[...] = hh

    row_spec = pl.BlockSpec((blk, d), lambda i: (i, 0))
    w_spec = pl.BlockSpec((d, h), lambda i: (0, 0))
    v_spec = pl.BlockSpec((1, h), lambda i: (0, 0))
    s_spec = pl.BlockSpec((1, 1), lambda i: (0, 0))

    in_specs = [s_spec, row_spec, row_spec, row_spec, w_spec, v_spec, w_spec,
                v_spec, v_spec, v_spec]
    args = [eps.reshape(1, 1), x, p0, p1, w1, b1.reshape(1, h),
            w2, b2.reshape(1, h), scale.reshape(1, h), beta.reshape(1, h)]
    if has_lin:
        in_specs += [w_spec, v_spec]
        args += [w3, b3.reshape(1, h)]

    return pl.pallas_call(
        body,
        grid=grid,
        in_specs=in_specs,
        out_specs=pl.BlockSpec((blk, h), lambda i: (i, 0)),
        out_shape=jax.ShapeDtypeStruct((n, h), jnp.float32),
    )(*args)


@functools.partial(jax.jit, static_argnames=("n", "d", "b"))
def _sc_pair_gather(h, ppi0, ppi1, idx, *, n, d, b):
    cb = b // NW

    mesh = plsc.VectorSubcoreMesh(core_axis_name="c", subcore_axis_name="s")

    @functools.partial(
        pl.kernel,
        mesh=mesh,
        out_type=[
            jax.ShapeDtypeStruct((b, d), jnp.float32),
            jax.ShapeDtypeStruct((b, d), jnp.float32),
        ],
        scratch_types=[
            pltpu.VMEM((cb,), jnp.int32),
            pltpu.VMEM((cb,), jnp.int32),
            pltpu.VMEM((cb,), jnp.int32),
            pltpu.VMEM((cb, d), jnp.float32),
            pltpu.VMEM((cb, d), jnp.float32),
            pltpu.SemaphoreType.DMA,
        ],
    )
    def gather_k(h_hbm, p0_hbm, p1_hbm, idx_hbm, x1_hbm, x2_hbm, idx_v,
                 s0_v, s1_v, r0_v, r1_v, sem):
        c = lax.axis_index("c")
        s = lax.axis_index("s")
        wid = c * NS + s
        base = wid * cb

        pltpu.sync_copy(idx_hbm.at[pl.ds(base, cb)], idx_v)
        pltpu.async_copy(p0_hbm.at[idx_v], s0_v, sem).wait()
        pltpu.async_copy(p1_hbm.at[idx_v], s1_v, sem).wait()
        pltpu.async_copy(h_hbm.at[s0_v], r0_v, sem).wait()
        pltpu.async_copy(h_hbm.at[s1_v], r1_v, sem).wait()
        pltpu.sync_copy(r0_v, x1_hbm.at[pl.ds(base, cb)])
        pltpu.sync_copy(r1_v, x2_hbm.at[pl.ds(base, cb)])

    return gather_k(h, ppi0, ppi1, idx)


def _tc_fc(x1, x2, wa, wb, bf):
    b, d = x1.shape
    out = wa.shape[1]

    def body(x1_ref, x2_ref, wa_ref, wb_ref, bf_ref, o_ref):
        m = x1_ref[...] * x2_ref[...]
        sm = x1_ref[...] + x2_ref[...]
        acc = jnp.dot(m, wa_ref[...], preferred_element_type=jnp.float32)
        acc += jnp.dot(sm, wb_ref[...], preferred_element_type=jnp.float32)
        o_ref[...] = acc + bf_ref[...]

    return pl.pallas_call(
        body,
        out_shape=jax.ShapeDtypeStruct((b, out), jnp.float32),
    )(x1, x2, wa, wb, bf.reshape(1, out))


def kernel(x, edge_index, ppi_list, idx, trainW, eps0, W1_0, b1_0, W2_0, b2_0,
           gamma0, beta0, eps1, W1_1, b1_1, W2_1, b2_1, gamma1, beta1, W_lin,
           b_lin, W_fc, b_fc):
    n, d = x.shape
    e = edge_index.shape[1]
    b = idx.shape[0]
    h = W1_0.shape[1]

    src = edge_index[0].astype(jnp.int32)
    dst = edge_index[1].astype(jnp.int32)
    ppi0 = ppi_list[:, 0].astype(jnp.int32)
    ppi1 = ppi_list[:, 1].astype(jnp.int32)
    idx32 = idx.astype(jnp.int32)

    bn_inv = 1.0 / jnp.sqrt(1.0 + 1e-5)
    scale0 = gamma0 * bn_inv
    scale1 = gamma1 * bn_inv
    rows_a = (n // NS) // 8 * 8
    zeros = jnp.zeros((n - (NS - 1) * rows_a, d), jnp.float32)

    p0, p1 = _sc_aggregate(x, src, dst, zeros, n=n, d=d, e=e, ch=80)
    h1 = _tc_mlp(x, p0, p1, eps0, W1_0, b1_0, W2_0, b2_0, scale0, beta0)
    q0, q1 = _sc_aggregate(h1, src, dst, zeros, n=n, d=d, e=e, ch=80)
    h3 = _tc_mlp(h1, q0, q1, eps1, W1_1, b1_1, W2_1, b2_1, scale1, beta1,
                 w3=W_lin, b3=b_lin)

    x1, x2 = _sc_pair_gather(h3, ppi0, ppi1, idx32, n=n, d=d, b=b)
    out = _tc_fc(x1, x2, W_fc[:h], W_fc[h:], b_fc)
    return (out, jnp.float32(0.0))

# --- scband reference (transcript-rebuilt; emitter-appended) ---
"""Pipeline reference for scband-prot-ir-69312182223714 (READ-ONLY COPY).

The authoritative reference and input builder live on the scoring server;
editing this copy changes nothing except your own understanding.
"""

import jax, jax.numpy as jnp
import numpy as np

N = 10000
E = 320000
D = 128
H = 128
P = 50000
B = 4096
OUT = 7


def setup_inputs(seed: int = 0) -> dict:
    key = jax.random.key(seed)
    ks = jax.random.split(key, 16)
    s = 0.05
    inp = {
        "x": jax.random.normal(ks[0], (N, D), dtype=jnp.float32),
        "edge_index": jax.random.randint(ks[1], (2, E), 0, N),
        "ppi_list": jax.random.randint(ks[2], (P, 2), 0, N),
        "idx": jax.random.randint(ks[3], (B,), 0, P),
        "trainW": 0,
        "eps0": jnp.zeros((), dtype=jnp.float32),
        "W1_0": jax.random.normal(ks[4], (D, H), dtype=jnp.float32) * s,
        "b1_0": jnp.zeros((H,), dtype=jnp.float32),
        "W2_0": jax.random.normal(ks[5], (H, H), dtype=jnp.float32) * s,
        "b2_0": jnp.zeros((H,), dtype=jnp.float32),
        "gamma0": jnp.ones((H,), dtype=jnp.float32),
        "beta0": jnp.zeros((H,), dtype=jnp.float32),
        "eps1": jnp.zeros((), dtype=jnp.float32),
        "W1_1": jax.random.normal(ks[6], (H, H), dtype=jnp.float32) * s,
        "b1_1": jnp.zeros((H,), dtype=jnp.float32),
        "W2_1": jax.random.normal(ks[7], (H, H), dtype=jnp.float32) * s,
        "b2_1": jnp.zeros((H,), dtype=jnp.float32),
        "gamma1": jnp.ones((H,), dtype=jnp.float32),
        "beta1": jnp.zeros((H,), dtype=jnp.float32),
        "W_lin": jax.random.normal(ks[8], (H, H), dtype=jnp.float32) * s,
        "b_lin": jnp.zeros((H,), dtype=jnp.float32),
        "W_fc": jax.random.normal(ks[9], (2 * H, OUT), dtype=jnp.float32) * s,
        "b_fc": jnp.zeros((OUT,), dtype=jnp.float32),
    }
    return inp


def _gin_layer(x, src, dst, eps, W1, b1, W2, b2, gamma, beta):
    # DGL GINConv, aggregator_type='sum', learn_eps=True:
    # h = MLP((1+eps)*x + sum_{j in N(i)} x_j)
    agg = jax.ops.segment_sum(x[src], dst, num_segments=x.shape[0])
    h = (1.0 + eps) * x + agg
    h = jax.nn.relu(h @ W1 + b1)
    h = jax.nn.relu(h @ W2 + b2)
    # BatchNorm1d in eval mode with running_mean=0, running_var=1
    h = gamma * h / jnp.sqrt(1.0 + 1e-5) + beta
    return h


def reference(x, edge_index, ppi_list, idx, trainW, eps0, W1_0, b1_0, W2_0, b2_0, gamma0, beta0, eps1, W1_1, b1_1, W2_1, b2_1, gamma1, beta1, W_lin, b_lin, W_fc, b_fc):
    # trainW is False (0): contrastive/perturbed branch skipped, cl_loss = 0
    src = edge_index[0]
    dst = edge_index[1]
    h = _gin_layer(x, src, dst, eps0, W1_0, b1_0, W2_0, b2_0, gamma0, beta0)
    h = _gin_layer(h, src, dst, eps1, W1_1, b1_1, W2_1, b2_1, gamma1, beta1)
    # dropout is identity in eval mode
    h = jax.nn.relu(h @ W_lin + b_lin)
    pairs = ppi_list[idx]
    x1 = h[pairs[:, 0]]
    x2 = h[pairs[:, 1]]
    out = jnp.concatenate([x1 * x2, x1 + x2], axis=-1) @ W_fc + b_fc
    return (out, jnp.float32(0.0))

if __name__ == "__main__":
    import jax
    _d = setup_inputs()
    print(jax.jit(kernel)(*tuple(_d.values())))

</pallas_src>

<mosaic_0001>
#map = affine_map<(d0, d1) -> (0, 0)>
#map1 = affine_map<(d0, d1) -> (0, 0, 0)>
module attributes {stable_mosaic.version = 14 : i64} {
  func.func @agg_k(%arg0: i32, %arg1: i32, %arg2: memref<10000x128xf32, #tpu.memory_space<hbm>>, %arg3: memref<32x125x80xi32, #tpu.memory_space<hbm>>, %arg4: memref<32x125x80xi32, #tpu.memory_space<hbm>>, %arg5: memref<640x128xf32, #tpu.memory_space<hbm>>, %arg6: memref<10000x128xf32, #tpu.memory_space<hbm>>, %arg7: memref<10000x128xf32, #tpu.memory_space<hbm>>, %arg8: memref<125x80xi32, #tpu.memory_space<vmem>>, %arg9: memref<125x80xi32, #tpu.memory_space<vmem>>, %arg10: memref<80x128xf32, #tpu.memory_space<vmem>>, %arg11: memref<10000x128xf32, #tpu.memory_space<vmem_shared>>, %arg12: memref<!tpu.dma_semaphore, #tpu.memory_space<semaphore_mem>>) attributes {dimension_semantics = [#tpu.dimension_semantics<core_parallel>, #tpu.dimension_semantics<subcore_parallel>], iteration_bounds = array<i64: 2, 16>, scalar_prefetch = 0 : i64, scratch_operands = 5 : i64, tpu.core_type = #tpu.core_type<sc_vector_subcore>, window_params = [{transform_indices = #map}, {transform_indices = #map1}, {transform_indices = #map1}, {transform_indices = #map}, {transform_indices = #map}, {transform_indices = #map}]} {
    %mul3A = arith.constant 16 : i32
    %mul3A_0 = arith.muli %arg0, %mul3A : i32
    %add3A = arith.addi %mul3A_0, %arg1 : i32
    %lt3A = arith.constant 15 : i32
    %lt3A_1 = arith.cmpi slt, %arg1, %lt3A : i32
    %convert_element_type3A = arith.extui %lt3A_1 : i1 to i32
    %cond3A = arith.constant 0 : i32
    %cond3A_2 = arith.cmpi ne, %convert_element_type3A, %cond3A : i32
    scf.if %cond3A_2 {
      %mul3A_46 = arith.constant 624 : i32
      %mul3A_47 = arith.muli %arg1, %mul3A_46 : i32
      "tpu.region"() ({
        %run_scoped3A = tpu.sem_alloc : memref<!tpu.dma_semaphore, #tpu.memory_space<semaphore_mem>>
        %dma_start3A = arith.constant 0 : i32
        %dma_start3A_48 = tpu.memref_slice %arg11[%mul3A_47, %dma_start3A] : memref<10000x128xf32, #tpu.memory_space<vmem_shared>> -> memref<624x128xf32, #tpu.memory_space<vmem_shared>>
        %dma_start3A_49 = arith.constant 0 : i32
        %dma_start3A_50 = arith.constant 0 : i32
        %dma_start3A_51 = tpu.memref_slice %arg5[%dma_start3A_49, %dma_start3A_50] : memref<640x128xf32, #tpu.memory_space<hbm>> -> memref<624x128xf32, #tpu.memory_space<hbm>>
        tpu.enqueue_dma source(%dma_start3A_51 : memref<624x128xf32, #tpu.memory_space<hbm>>) target(%dma_start3A_48 : memref<624x128xf32, #tpu.memory_space<vmem_shared>>) target_semaphore(%run_scoped3A : memref<!tpu.dma_semaphore, #tpu.memory_space<semaphore_mem>>)
        %dma_wait3A = arith.constant 0 : i32
        %dma_wait3A_52 = tpu.memref_slice %arg11[%mul3A_47, %dma_wait3A] : memref<10000x128xf32, #tpu.memory_space<vmem_shared>> -> memref<624x128xf32, #tpu.memory_space<vmem_shared>>
        %dma_wait3A_53 = arith.constant 0 : i32
        %dma_wait3A_54 = arith.constant 0 : i32
        %dma_wait3A_55 = tpu.memref_slice %arg5[%dma_wait3A_53, %dma_wait3A_54] : memref<640x128xf32, #tpu.memory_space<hbm>> -> memref<624x128xf32, #tpu.memory_space<hbm>>
        tpu.wait_dma2 semaphore(%run_scoped3A : memref<!tpu.dma_semaphore, #tpu.memory_space<semaphore_mem>>) src(%dma_wait3A_55 : memref<624x128xf32, #tpu.memory_space<hbm>>) dst(%dma_wait3A_52 : memref<624x128xf32, #tpu.memory_space<vmem_shared>>)
        tpu.yield
      }) : () -> ()
    } else {
    }
    %eq3A = arith.constant 15 : i32
    %eq3A_3 = arith.cmpi eq, %arg1, %eq3A : i32
    %convert_element_type3A_4 = arith.extui %eq3A_3 : i1 to i32
    %cond3A_5 = arith.constant 0 : i32
    %cond3A_6 = arith.cmpi ne, %convert_element_type3A_4, %cond3A_5 : i32
    scf.if %cond3A_6 {
      "tpu.region"() ({
        %run_scoped3A = tpu.sem_alloc : memref<!tpu.dma_semaphore, #tpu.memory_space<semaphore_mem>>
        %dma_start3A = arith.constant 9360 : i32
        %dma_start3A_46 = arith.constant 0 : i32
        %dma_start3A_47 = tpu.memref_slice %arg11[%dma_start3A, %dma_start3A_46] : memref<10000x128xf32, #tpu.memory_space<vmem_shared>> -> memref<640x128xf32, #tpu.memory_space<vmem_shared>>
        tpu.enqueue_dma source(%arg5 : memref<640x128xf32, #tpu.memory_space<hbm>>) target(%dma_start3A_47 : memref<640x128xf32, #tpu.memory_space<vmem_shared>>) target_semaphore(%run_scoped3A : memref<!tpu.dma_semaphore, #tpu.memory_space<semaphore_mem>>)
        %dma_wait3A = arith.constant 9360 : i32
        %dma_wait3A_48 = arith.constant 0 : i32
        %dma_wait3A_49 = tpu.memref_slice %arg11[%dma_wait3A, %dma_wait3A_48] : memref<10000x128xf32, #tpu.memory_space<vmem_shared>> -> memref<640x128xf32, #tpu.memory_space<vmem_shared>>
        tpu.wait_dma2 semaphore(%run_scoped3A : memref<!tpu.dma_semaphore, #tpu.memory_space<semaphore_mem>>) src(%arg5 : memref<640x128xf32, #tpu.memory_space<hbm>>) dst(%dma_wait3A_49 : memref<640x128xf32, #tpu.memory_space<vmem_shared>>)
        tpu.yield
      }) : () -> ()
    } else {
    }
    "tpu.region"() ({
      %run_scoped3A = tpu.sem_alloc : memref<!tpu.dma_semaphore, #tpu.memory_space<semaphore_mem>>
      %dma_start3A = arith.constant 0 : i32
      %dma_start3A_46 = arith.constant 0 : i32
      %dma_start3A_47 = tpu.memref_slice %arg3[%add3A, %dma_start3A, %dma_start3A_46] : memref<32x125x80xi32, #tpu.memory_space<hbm>> -> memref<1x125x80xi32, #tpu.memory_space<hbm>>
      %dma_start3A_48 = tpu.memref_squeeze %dma_start3A_47 : memref<1x125x80xi32, #tpu.memory_space<hbm>> -> memref<125x80xi32, #tpu.memory_space<hbm>>
      %dma_start3A_49 = arith.constant 0 : i32
      %dma_start3A_50 = arith.constant 0 : i32
      %dma_start3A_51 = tpu.memref_slice %arg3[%add3A, %dma_start3A_49, %dma_start3A_50] : memref<32x125x80xi32, #tpu.memory_space<hbm>> -> memref<1x125x80xi32, #tpu.memory_space<hbm>>
      %dma_start3A_52 = tpu.memref_squeeze %dma_start3A_51 : memref<1x125x80xi32, #tpu.memory_space<hbm>> -> memref<125x80xi32, #tpu.memory_space<hbm>>
      tpu.enqueue_dma source(%dma_start3A_52 : memref<125x80xi32, #tpu.memory_space<hbm>>) target(%arg8 : memref<125x80xi32, #tpu.memory_space<vmem>>) target_semaphore(%run_scoped3A : memref<!tpu.dma_semaphore, #tpu.memory_space<semaphore_mem>>)
      %dma_wait3A = arith.constant 0 : i32
      %dma_wait3A_53 = arith.constant 0 : i32
      %dma_wait3A_54 = tpu.memref_slice %arg3[%add3A, %dma_wait3A, %dma_wait3A_53] : memref<32x125x80xi32, #tpu.memory_space<hbm>> -> memref<1x125x80xi32, #tpu.memory_space<hbm>>
      %dma_wait3A_55 = tpu.memref_squeeze %dma_wait3A_54 : memref<1x125x80xi32, #tpu.memory_space<hbm>> -> memref<125x80xi32, #tpu.memory_space<hbm>>
      %dma_wait3A_56 = arith.constant 0 : i32
      %dma_wait3A_57 = arith.constant 0 : i32
      %dma_wait3A_58 = tpu.memref_slice %arg3[%add3A, %dma_wait3A_56, %dma_wait3A_57] : memref<32x125x80xi32, #tpu.memory_space<hbm>> -> memref<1x125x80xi32, #tpu.memory_space<hbm>>
      %dma_wait3A_59 = tpu.memref_squeeze %dma_wait3A_58 : memref<1x125x80xi32, #tpu.memory_space<hbm>> -> memref<125x80xi32, #tpu.memory_space<hbm>>
      tpu.wait_dma2 semaphore(%run_scoped3A : memref<!tpu.dma_semaphore, #tpu.memory_space<semaphore_mem>>) src(%dma_wait3A_59 : memref<125x80xi32, #tpu.memory_space<hbm>>) dst(%arg8 : memref<125x80xi32, #tpu.memory_space<vmem>>)
      tpu.yield
    }) : () -> ()
    "tpu.region"() ({
      %run_scoped3A = tpu.sem_alloc : memref<!tpu.dma_semaphore, #tpu.memory_space<semaphore_mem>>
      %dma_start3A = arith.constant 0 : i32
      %dma_start3A_46 = arith.constant 0 : i32
      %dma_start3A_47 = tpu.memref_slice %arg4[%add3A, %dma_start3A, %dma_start3A_46] : memref<32x125x80xi32, #tpu.memory_space<hbm>> -> memref<1x125x80xi32, #tpu.memory_space<hbm>>
      %dma_start3A_48 = tpu.memref_squeeze %dma_start3A_47 : memref<1x125x80xi32, #tpu.memory_space<hbm>> -> memref<125x80xi32, #tpu.memory_space<hbm>>
      %dma_start3A_49 = arith.constant 0 : i32
      %dma_start3A_50 = arith.constant 0 : i32
      %dma_start3A_51 = tpu.memref_slice %arg4[%add3A, %dma_start3A_49, %dma_start3A_50] : memref<32x125x80xi32, #tpu.memory_space<hbm>> -> memref<1x125x80xi32, #tpu.memory_space<hbm>>
      %dma_start3A_52 = tpu.memref_squeeze %dma_start3A_51 : memref<1x125x80xi32, #tpu.memory_space<hbm>> -> memref<125x80xi32, #tpu.memory_space<hbm>>
      tpu.enqueue_dma source(%dma_start3A_52 : memref<125x80xi32, #tpu.memory_space<hbm>>) target(%arg9 : memref<125x80xi32, #tpu.memory_space<vmem>>) target_semaphore(%run_scoped3A : memref<!tpu.dma_semaphore, #tpu.memory_space<semaphore_mem>>)
      %dma_wait3A = arith.constant 0 : i32
      %dma_wait3A_53 = arith.constant 0 : i32
      %dma_wait3A_54 = tpu.memref_slice %arg4[%add3A, %dma_wait3A, %dma_wait3A_53] : memref<32x125x80xi32, #tpu.memory_space<hbm>> -> memref<1x125x80xi32, #tpu.memory_space<hbm>>
      %dma_wait3A_55 = tpu.memref_squeeze %dma_wait3A_54 : memref<1x125x80xi32, #tpu.memory_space<hbm>> -> memref<125x80xi32, #tpu.memory_space<hbm>>
      %dma_wait3A_56 = arith.constant 0 : i32
      %dma_wait3A_57 = arith.constant 0 : i32
      %dma_wait3A_58 = tpu.memref_slice %arg4[%add3A, %dma_wait3A_56, %dma_wait3A_57] : memref<32x125x80xi32, #tpu.memory_space<hbm>> -> memref<1x125x80xi32, #tpu.memory_space<hbm>>
      %dma_wait3A_59 = tpu.memref_squeeze %dma_wait3A_58 : memref<1x125x80xi32, #tpu.memory_space<hbm>> -> memref<125x80xi32, #tpu.memory_space<hbm>>
      tpu.wait_dma2 semaphore(%run_scoped3A : memref<!tpu.dma_semaphore, #tpu.memory_space<semaphore_mem>>) src(%dma_wait3A_59 : memref<125x80xi32, #tpu.memory_space<hbm>>) dst(%arg9 : memref<125x80xi32, #tpu.memory_space<vmem>>)
      tpu.yield
    }) : () -> ()
    %barrier3A = arith.constant 0 : index
    tpu.barrier barrier_id(%barrier3A)
    %scan3A = arith.constant 0 : i32
    %scan3A_7 = arith.constant 0 : i32
    %scan3A_8 = arith.constant 125 : i32
    %scan3A_9 = arith.addi %scan3A_7, %scan3A_8 : i32
    %scan3A_10 = arith.constant 1 : i32
    scf.for %scan3A_46 = %scan3A_7 to %scan3A_9 step %scan3A_10  : i32 {
      %dma_start3A = arith.constant 0 : i32
      %dma_start3A_47 = tpu.memref_slice %arg8[%scan3A_46, %dma_start3A] : memref<125x80xi32, #tpu.memory_space<vmem>> -> memref<1x80xi32, #tpu.memory_space<vmem>>
      %dma_start3A_48 = tpu.memref_squeeze %dma_start3A_47 : memref<1x80xi32, #tpu.memory_space<vmem>> -> memref<80xi32, #tpu.memory_space<vmem>>
      %dma_start3A_49 = arith.constant 0 : i32
      %dma_start3A_50 = arith.constant 0 : i32
      %dma_start3A_51 = tpu.memref_slice %arg2[%dma_start3A_49, %dma_start3A_50] : memref<10000x128xf32, #tpu.memory_space<hbm>> -> memref<10000x128xf32, #tpu.memory_space<hbm>>
      tpu.enqueue_indirect_dma source(%dma_start3A_51 : memref<10000x128xf32, #tpu.memory_space<hbm>>) target(%arg10 : memref<80x128xf32, #tpu.memory_space<vmem>>) offsets(%dma_start3A_48 : memref<80xi32, #tpu.memory_space<vmem>>) semaphore(%arg12 : memref<!tpu.dma_semaphore, #tpu.memory_space<semaphore_mem>>)
      %dma_wait3A = arith.constant 0 : i32
      %dma_wait3A_52 = tpu.memref_slice %arg8[%scan3A_46, %dma_wait3A] : memref<125x80xi32, #tpu.memory_space<vmem>> -> memref<1x80xi32, #tpu.memory_space<vmem>>
      %dma_wait3A_53 = tpu.memref_squeeze %dma_wait3A_52 : memref<1x80xi32, #tpu.memory_space<vmem>> -> memref<80xi32, #tpu.memory_space<vmem>>
      %dma_wait3A_54 = arith.constant 0 : i32
      %dma_wait3A_55 = arith.constant 0 : i32
      %dma_wait3A_56 = tpu.memref_slice %arg2[%dma_wait3A_54, %dma_wait3A_55] : memref<10000x128xf32, #tpu.memory_space<hbm>> -> memref<10000x128xf32, #tpu.memory_space<hbm>>
      tpu.wait_indirect_dma semaphore(%arg12 : memref<!tpu.dma_semaphore, #tpu.memory_space<semaphore_mem>>) src(%dma_wait3A_56 : memref<10000x128xf32, #tpu.memory_space<hbm>>) dst(%arg10 : memref<80x128xf32, #tpu.memory_space<vmem>>)
      "tpu.region"() ({
        %run_scoped3A = tpu.sem_alloc : memref<!tpu.dma_semaphore, #tpu.memory_space<semaphore_mem>>
        %dma_start3A_57 = arith.constant 0 : i32
        %dma_start3A_58 = tpu.memref_slice %arg9[%scan3A_46, %dma_start3A_57] : memref<125x80xi32, #tpu.memory_space<vmem>> -> memref<1x80xi32, #tpu.memory_space<vmem>>
        %dma_start3A_59 = tpu.memref_squeeze %dma_start3A_58 : memref<1x80xi32, #tpu.memory_space<vmem>> -> memref<80xi32, #tpu.memory_space<vmem>>
        %dma_start3A_60 = arith.constant 0 : i32
        %dma_start3A_61 = arith.constant 0 : i32
        %dma_start3A_62 = tpu.memref_slice %arg11[%dma_start3A_60, %dma_start3A_61] : memref<10000x128xf32, #tpu.memory_space<vmem_shared>> -> memref<10000x128xf32, #tpu.memory_space<vmem_shared>>
        tpu.enqueue_indirect_dma source(%arg10 : memref<80x128xf32, #tpu.memory_space<vmem>>) target(%dma_start3A_62 : memref<10000x128xf32, #tpu.memory_space<vmem_shared>>) offsets(%dma_start3A_59 : memref<80xi32, #tpu.memory_space<vmem>>) semaphore(%run_scoped3A : memref<!tpu.dma_semaphore, #tpu.memory_space<semaphore_mem>>) {add = true}
        %dma_wait3A_63 = arith.constant 0 : i32
        %dma_wait3A_64 = tpu.memref_slice %arg9[%scan3A_46, %dma_wait3A_63] : memref<125x80xi32, #tpu.memory_space<vmem>> -> memref<1x80xi32, #tpu.memory_space<vmem>>
        %dma_wait3A_65 = tpu.memref_squeeze %dma_wait3A_64 : memref<1x80xi32, #tpu.memory_space<vmem>> -> memref<80xi32, #tpu.memory_space<vmem>>
        %dma_wait3A_66 = arith.constant 0 : i32
        %dma_wait3A_67 = arith.constant 0 : i32
        %dma_wait3A_68 = tpu.memref_slice %arg11[%dma_wait3A_66, %dma_wait3A_67] : memref<10000x128xf32, #tpu.memory_space<vmem_shared>> -> memref<10000x128xf32, #tpu.memory_space<vmem_shared>>
        tpu.wait_indirect_dma semaphore(%run_scoped3A : memref<!tpu.dma_semaphore, #tpu.memory_space<semaphore_mem>>) src(%arg10 : memref<80x128xf32, #tpu.memory_space<vmem>>) dst(%dma_wait3A_68 : memref<10000x128xf32, #tpu.memory_space<vmem_shared>>)
        tpu.yield
      }) : () -> ()
    }
    %scan3A_11 = arith.constant 125 : i32
    %barrier3A_12 = arith.constant 0 : index
    tpu.barrier barrier_id(%barrier3A_12)
    %mul3A_13 = arith.constant 624 : i32
    %mul3A_14 = arith.muli %arg1, %mul3A_13 : i32
    %eq3A_15 = arith.constant 0 : i32
    %eq3A_16 = arith.cmpi eq, %arg0, %eq3A_15 : i32
    %lt3A_17 = arith.constant 15 : i32
    %lt3A_18 = arith.cmpi slt, %arg1, %lt3A_17 : i32
    %and3A = arith.andi %eq3A_16, %lt3A_18 : i1
    %convert_element_type3A_19 = arith.extui %and3A : i1 to i32
    %cond3A_20 = arith.constant 0 : i32
    %cond3A_21 = arith.cmpi ne, %convert_element_type3A_19, %cond3A_20 : i32
    scf.if %cond3A_21 {
      "tpu.region"() ({
        %run_scoped3A = tpu.sem_alloc : memref<!tpu.dma_semaphore, #tpu.memory_space<semaphore_mem>>
        %dma_start3A = arith.constant 0 : i32
        %dma_start3A_46 = tpu.memref_slice %arg6[%mul3A_14, %dma_start3A] : memref<10000x128xf32, #tpu.memory_space<hbm>> -> memref<624x128xf32, #tpu.memory_space<hbm>>
        %dma_start3A_47 = arith.constant 0 : i32
        %dma_start3A_48 = tpu.memref_slice %arg11[%mul3A_14, %dma_start3A_47] : memref<10000x128xf32, #tpu.memory_space<vmem_shared>> -> memref<624x128xf32, #tpu.memory_space<vmem_shared>>
        tpu.enqueue_dma source(%dma_start3A_48 : memref<624x128xf32, #tpu.memory_space<vmem_shared>>) target(%dma_start3A_46 : memref<624x128xf32, #tpu.memory_space<hbm>>) target_semaphore(%run_scoped3A : memref<!tpu.dma_semaphore, #tpu.memory_space<semaphore_mem>>)
        %dma_wait3A = arith.constant 0 : i32
        %dma_wait3A_49 = tpu.memref_slice %arg6[%mul3A_14, %dma_wait3A] : memref<10000x128xf32, #tpu.memory_space<hbm>> -> memref<624x128xf32, #tpu.memory_space<hbm>>
        %dma_wait3A_50 = arith.constant 0 : i32
        %dma_wait3A_51 = tpu.memref_slice %arg11[%mul3A_14, %dma_wait3A_50] : memref<10000x128xf32, #tpu.memory_space<vmem_shared>> -> memref<624x128xf32, #tpu.memory_space<vmem_shared>>
        tpu.wait_dma2 semaphore(%run_scoped3A : memref<!tpu.dma_semaphore, #tpu.memory_space<semaphore_mem>>) src(%dma_wait3A_51 : memref<624x128xf32, #tpu.memory_space<vmem_shared>>) dst(%dma_wait3A_49 : memref<624x128xf32, #tpu.memory_space<hbm>>)
        tpu.yield
      }) : () -> ()
    } else {
    }
    %eq3A_22 = arith.constant 0 : i32
    %eq3A_23 = arith.cmpi eq, %arg0, %eq3A_22 : i32
    %eq3A_24 = arith.constant 15 : i32
    %eq3A_25 = arith.cmpi eq, %arg1, %eq3A_24 : i32
    %and3A_26 = arith.andi %eq3A_23, %eq3A_25 : i1
    %convert_element_type3A_27 = arith.extui %and3A_26 : i1 to i32
    %cond3A_28 = arith.constant 0 : i32
    %cond3A_29 = arith.cmpi ne, %convert_element_type3A_27, %cond3A_28 : i32
    scf.if %cond3A_29 {
      "tpu.region"() ({
        %run_scoped3A = tpu.sem_alloc : memref<!tpu.dma_semaphore, #tpu.memory_space<semaphore_mem>>
        %dma_start3A = arith.constant 9360 : i32
        %dma_start3A_46 = arith.constant 0 : i32
        %dma_start3A_47 = tpu.memref_slice %arg6[%dma_start3A, %dma_start3A_46] : memref<10000x128xf32, #tpu.memory_space<hbm>> -> memref<640x128xf32, #tpu.memory_space<hbm>>
        %dma_start3A_48 = arith.constant 9360 : i32
        %dma_start3A_49 = arith.constant 0 : i32
        %dma_start3A_50 = tpu.memref_slice %arg11[%dma_start3A_48, %dma_start3A_49] : memref<10000x128xf32, #tpu.memory_space<vmem_shared>> -> memref<640x128xf32, #tpu.memory_space<vmem_shared>>
        tpu.enqueue_dma source(%dma_start3A_50 : memref<640x128xf32, #tpu.memory_space<vmem_shared>>) target(%dma_start3A_47 : memref<640x128xf32, #tpu.memory_space<hbm>>) target_semaphore(%run_scoped3A : memref<!tpu.dma_semaphore, #tpu.memory_space<semaphore_mem>>)
        %dma_wait3A = arith.constant 9360 : i32
        %dma_wait3A_51 = arith.constant 0 : i32
        %dma_wait3A_52 = tpu.memref_slice %arg6[%dma_wait3A, %dma_wait3A_51] : memref<10000x128xf32, #tpu.memory_space<hbm>> -> memref<640x128xf32, #tpu.memory_space<hbm>>
        %dma_wait3A_53 = arith.constant 9360 : i32
        %dma_wait3A_54 = arith.constant 0 : i32
        %dma_wait3A_55 = tpu.memref_slice %arg11[%dma_wait3A_53, %dma_wait3A_54] : memref<10000x128xf32, #tpu.memory_space<vmem_shared>> -> memref<640x128xf32, #tpu.memory_space<vmem_shared>>
        tpu.wait_dma2 semaphore(%run_scoped3A : memref<!tpu.dma_semaphore, #tpu.memory_space<semaphore_mem>>) src(%dma_wait3A_55 : memref<640x128xf32, #tpu.memory_space<vmem_shared>>) dst(%dma_wait3A_52 : memref<640x128xf32, #tpu.memory_space<hbm>>)
        tpu.yield
      }) : () -> ()
    } else {
    }
    %eq3A_30 = arith.constant 1 : i32
    %eq3A_31 = arith.cmpi eq, %arg0, %eq3A_30 : i32
    %lt3A_32 = arith.constant 15 : i32
    %lt3A_33 = arith.cmpi slt, %arg1, %lt3A_32 : i32
    %and3A_34 = arith.andi %eq3A_31, %lt3A_33 : i1
    %convert_element_type3A_35 = arith.extui %and3A_34 : i1 to i32
    %cond3A_36 = arith.constant 0 : i32
    %cond3A_37 = arith.cmpi ne, %convert_element_type3A_35, %cond3A_36 : i32
    scf.if %cond3A_37 {
      "tpu.region"() ({
        %run_scoped3A = tpu.sem_alloc : memref<!tpu.dma_semaphore, #tpu.memory_space<semaphore_mem>>
        %dma_start3A = arith.constant 0 : i32
        %dma_start3A_46 = tpu.memref_slice %arg7[%mul3A_14, %dma_start3A] : memref<10000x128xf32, #tpu.memory_space<hbm>> -> memref<624x128xf32, #tpu.memory_space<hbm>>
        %dma_start3A_47 = arith.constant 0 : i32
        %dma_start3A_48 = tpu.memref_slice %arg11[%mul3A_14, %dma_start3A_47] : memref<10000x128xf32, #tpu.memory_space<vmem_shared>> -> memref<624x128xf32, #tpu.memory_space<vmem_shared>>
        tpu.enqueue_dma source(%dma_start3A_48 : memref<624x128xf32, #tpu.memory_space<vmem_shared>>) target(%dma_start3A_46 : memref<624x128xf32, #tpu.memory_space<hbm>>) target_semaphore(%run_scoped3A : memref<!tpu.dma_semaphore, #tpu.memory_space<semaphore_mem>>)
        %dma_wait3A = arith.constant 0 : i32
        %dma_wait3A_49 = tpu.memref_slice %arg7[%mul3A_14, %dma_wait3A] : memref<10000x128xf32, #tpu.memory_space<hbm>> -> memref<624x128xf32, #tpu.memory_space<hbm>>
        %dma_wait3A_50 = arith.constant 0 : i32
        %dma_wait3A_51 = tpu.memref_slice %arg11[%mul3A_14, %dma_wait3A_50] : memref<10000x128xf32, #tpu.memory_space<vmem_shared>> -> memref<624x128xf32, #tpu.memory_space<vmem_shared>>
        tpu.wait_dma2 semaphore(%run_scoped3A : memref<!tpu.dma_semaphore, #tpu.memory_space<semaphore_mem>>) src(%dma_wait3A_51 : memref<624x128xf32, #tpu.memory_space<vmem_shared>>) dst(%dma_wait3A_49 : memref<624x128xf32, #tpu.memory_space<hbm>>)
        tpu.yield
      }) : () -> ()
    } else {
    }
    %eq3A_38 = arith.constant 1 : i32
    %eq3A_39 = arith.cmpi eq, %arg0, %eq3A_38 : i32
    %eq3A_40 = arith.constant 15 : i32
    %eq3A_41 = arith.cmpi eq, %arg1, %eq3A_40 : i32
    %and3A_42 = arith.andi %eq3A_39, %eq3A_41 : i1
    %convert_element_type3A_43 = arith.extui %and3A_42 : i1 to i32
    %cond3A_44 = arith.constant 0 : i32
    %cond3A_45 = arith.cmpi ne, %convert_element_type3A_43, %cond3A_44 : i32
    scf.if %cond3A_45 {
      "tpu.region"() ({
        %run_scoped3A = tpu.sem_alloc : memref<!tpu.dma_semaphore, #tpu.memory_space<semaphore_mem>>
        %dma_start3A = arith.constant 9360 : i32
        %dma_start3A_46 = arith.constant 0 : i32
        %dma_start3A_47 = tpu.memref_slice %arg7[%dma_start3A, %dma_start3A_46] : memref<10000x128xf32, #tpu.memory_space<hbm>> -> memref<640x128xf32, #tpu.memory_space<hbm>>
        %dma_start3A_48 = arith.constant 9360 : i32
        %dma_start3A_49 = arith.constant 0 : i32
        %dma_start3A_50 = tpu.memref_slice %arg11[%dma_start3A_48, %dma_start3A_49] : memref<10000x128xf32, #tpu.memory_space<vmem_shared>> -> memref<640x128xf32, #tpu.memory_space<vmem_shared>>
        tpu.enqueue_dma source(%dma_start3A_50 : memref<640x128xf32, #tpu.memory_space<vmem_shared>>) target(%dma_start3A_47 : memref<640x128xf32, #tpu.memory_space<hbm>>) target_semaphore(%run_scoped3A : memref<!tpu.dma_semaphore, #tpu.memory_space<semaphore_mem>>)
        %dma_wait3A = arith.constant 9360 : i32
        %dma_wait3A_51 = arith.constant 0 : i32
        %dma_wait3A_52 = tpu.memref_slice %arg7[%dma_wait3A, %dma_wait3A_51] : memref<10000x128xf32, #tpu.memory_space<hbm>> -> memref<640x128xf32, #tpu.memory_space<hbm>>
        %dma_wait3A_53 = arith.constant 9360 : i32
        %dma_wait3A_54 = arith.constant 0 : i32
        %dma_wait3A_55 = tpu.memref_slice %arg11[%dma_wait3A_53, %dma_wait3A_54] : memref<10000x128xf32, #tpu.memory_space<vmem_shared>> -> memref<640x128xf32, #tpu.memory_space<vmem_shared>>
        tpu.wait_dma2 semaphore(%run_scoped3A : memref<!tpu.dma_semaphore, #tpu.memory_space<semaphore_mem>>) src(%dma_wait3A_55 : memref<640x128xf32, #tpu.memory_space<vmem_shared>>) dst(%dma_wait3A_52 : memref<640x128xf32, #tpu.memory_space<hbm>>)
        tpu.yield
      }) : () -> ()
    } else {
    }
    return
  }
}

</mosaic_0001>

<sc_bundles>
// kernel: _sc_aggregate.3.cloned.1.call-start
scs
__scs_entry_jumppad:
0x0: {  	(pc) =	sbr.rel $0x88, $3  }
0x1: {  	(tag) =	ssettag $0x0;
	lr =	simm.s32 $0x1  }
0x2: {  	[smem:$0x3F9D] =	sst lr;
	_ =	strace $0xD0000000  }
0x3: {  	_ = 	snop  }
0x4: {  	_ = 	snop  }
0x5: {  	_ = 	snop  }
0x6: {  	_ = 	snop  }
0x7: {  	_ = 	snop  }
__scs_overlays_trampoline_lowered:
0x8: {  	[smem:$0x3FAC] =	sst s0  }
0x9: {  	[smem:$0x3FAD] =	sst s1  }
0xa: {  	[smem:$0x3FAE] =	sst s2  }
0xb: {  	[smem:$0x3FAF] =	sst s3  }
0xc: {  	[smem:$0x3FB0] =	sst s4  }
0xd: {  	[smem:$0x3FB1] =	sst s5  }
0xe: {  	[smem:$0x3FB2] =	sst s6  }
0xf: {  	[smem:$0x3FB3] =	sst s7  }
0x10: {  	[smem:$0x3FB4] =	sst s8  }
0x11: {  	[smem:$0x3FB5] =	sst s9;
	s0 =	simm.s32 @!p0 $0x0  }
0x12: {  	s1 =	sld [smem:$0x3F9B];
	s0 =	simm.s32 @p0 $0x1  }
0x13: {  	[smem:$0x3FB6] =	sst s0;
	s0 =	simm.s32 @!p1 $0x0  }
0x14: {  	s2 =	sld [smem:$0x3F9A];
	s0 =	simm.s32 @p1 $0x1  }
0x15: {  	[smem:$0x3FB7] =	sst s0;
	s0 =	simm.s32 @!p2 $0x0  }
0x16: {  	s3 =	sld [smem:$0x3FDB];
	s0 =	simm.s32 @p2 $0x1  }
0x17: {  	s4 =	simm.s32 $0x1BF5;
	[smem:$0x3FB9] =	sst s0  }
0x18: {  	s0 =	sld [smem:$0x3F9C];
	_ =	swait.ge [sflag:s4], $0x0  }
0x19: {  	s7 =	sld [smem:$0x3F9D]  }
0x1a: {  	s8 =	sadd.s32 $0xFFFFE003, lr  }
0x1b: {  	s9 =	sadd.s32 $0xFFFFFEF7, lr;
	s5 =	simm.s32 $0xFFFFFFFF;
	p2 =	slt.u32 s8, $0xFFFFF086  }
0x1c: {  	p1 =	slt.u32 s9, $0xF7A;
	s5 =	simm.s32 @!p2 $0x0  }
0x1d: {  	s5 =	simm.s32 @p1 $0x1;
	p0 =	seq.s32 s7, s2  }
0x1e: {  	s7 =	smul.u32 @!p0 $0xF7A, s2;
	p2 =	seq.s32 @!p0 s5, $0x0  }
0x1f: {  	s9 =	smul.u32 $0xF7A, s1;
	s8 =	simm.s32 @!p0 $0x1BF5;
	p2 =	por !p2, p0  }
0x20: {  	[sflag:s8] =	ssyncset.s32 @!p0 $0xFFFFF086;
	s6 =	sadd.s32 @!p0 s3, s7;
	s7 =	simm.s32 @!p0 $0x108  }
0x21: {  	s3 =	sadd.s32 s3, s9;
	s6 =	sadd.s32 @!p0 $0x88, s6;
	s7 =	simm.s32 @p2 $0x1082  }
0x22: {  	[simem:s7], [sflag:s8] =	dma.local @!p0 [hbm:s6], $0xF7A  }
0x23: {  	s9 =	sor.u32 $0xD0000000, s2;
	s6 =	simm.s32 $0x108;
	_ =	swait.ge @!p0 [sflag:s8], $0x0  }
0x24: {  	s3 =	sadd.s32 $0x88, s3;
	s6 =	simm.s32 @!p1 $0x1082;
	[sflag:s4] =	ssyncset.s32 $0xFFFFF086  }
0x25: {  	[simem:s6], [sflag:s4] =	dma.local [hbm:s3], $0xF7A  }
0x26: {  	[smem:$0x3F9D] =	sst s1;
	(tag) =	ssettag s2;
	_ =	strace s9  }
0x27: {  	s1 =	sld [smem:$0x3FAD]  }
0x28: {  	s2 =	sld [smem:$0x3FAE]  }
0x29: {  	s4 =	sld [smem:$0x3FB0]  }
0x2a: {  	p0 =	seq.s32 s5, $0x0;
	s5 =	sld [smem:$0x3FB1]  }
0x2b: {  	s6 =	sld [smem:$0x3FB2]  }
0x2c: {  	s7 =	sld [smem:$0x3FB3]  }
0x2d: {  	s3 =	simm.s32 $0x108;
	s8 =	sld [smem:$0x3FB4]  }
0x2e: {  	s3 =	simm.s32 @!p0 $0x1082;
	s9 =	sld [smem:$0x3FB5]  }
0x2f: {  	lr =	sadd.s32 s0, s3;
	s0 =	sld [smem:$0x3FAC]  }
0x30: {  	s3 =	sld [smem:$0x3FAF]  }
0x31: {  	[smem:$0x3FB8] =	sst s10  }
0x32: {  	s10 =	sld [smem:$0x3FB6];
	_ =	sdelay $0x3  }
0x33: {  	p0 =	seq.s32 s10, $0x1;
	s10 =	sld [smem:$0x3FB8];
	_ =	sdelay $0x3  }
0x34: {  	[smem:$0x3FB8] =	sst s10  }
0x35: {  	s10 =	sld [smem:$0x3FB7];
	_ =	sdelay $0x3  }
0x36: {  	p1 =	seq.s32 s10, $0x1;
	s10 =	sld [smem:$0x3FB8];
	_ =	sdelay $0x3  }
0x37: {  	[smem:$0x3FB8] =	sst s10  }
0x38: {  	s10 =	sld [smem:$0x3FB9]  }
0x39: {  	_ = 	snop;
	(pc) =	sbr.ind lr, $3  }
0x3a: {  	_ = 	snop  }
0x3b: {  	_ = 	snop  }
0x3c: {  	p2 =	seq.s32 s10, $0x1;
	s10 =	sld [smem:$0x3FB8]  }
0x3d: {  	_ =	shalt  }
0x3e: {  	_ =	shalt  }
0x3f: {  	_ =	shalt  }
0x40: {  	_ =	shalt  }
0x41: {  	_ =	shalt  }
0x42: {  	_ =	shalt  }
0x43: {  	_ =	shalt  }
0x44: {  	_ =	shalt  }
0x45: {  	_ =	shalt  }
0x46: {  	_ =	shalt  }
0x47: {  	_ =	shalt  }
0x48: {  	_ =	shalt  }
0x49: {  	_ =	shalt  }
0x4a: {  	_ =	shalt  }
0x4b: {  	_ =	shalt  }
0x4c: {  	_ =	shalt  }
0x4d: {  	_ =	shalt  }
0x4e: {  	_ =	shalt  }
0x4f: {  	_ =	shalt  }
0x50: {  	_ =	shalt  }
0x51: {  	_ =	shalt  }
0x52: {  	_ =	shalt  }
0x53: {  	_ =	shalt  }
0x54: {  	_ =	shalt  }
0x55: {  	_ =	shalt  }
0x56: {  	_ =	shalt  }
0x57: {  	_ =	shalt  }
0x58: {  	_ =	shalt  }
0x59: {  	_ =	shalt  }
0x5a: {  	_ =	shalt  }
0x5b: {  	_ =	shalt  }
0x5c: {  	_ =	shalt  }
0x5d: {  	_ =	shalt  }
0x5e: {  	_ =	shalt  }
0x5f: {  	_ =	shalt  }
0x60: {  	_ =	shalt  }
0x61: {  	_ =	shalt  }
0x62: {  	_ =	shalt  }
0x63: {  	_ =	shalt  }
0x64: {  	_ =	shalt  }
0x65: {  	_ =	shalt  }
0x66: {  	_ =	shalt  }
0x67: {  	_ =	shalt  }
0x68: {  	_ =	shalt  }
0x69: {  	_ =	shalt  }
0x6a: {  	_ =	shalt  }
0x6b: {  	_ =	shalt  }
0x6c: {  	_ =	shalt  }
0x6d: {  	_ =	shalt  }
0x6e: {  	_ =	shalt  }
0x6f: {  	_ =	shalt  }
0x70: {  	_ =	shalt  }
0x71: {  	_ =	shalt  }
0x72: {  	_ =	shalt  }
0x73: {  	_ =	shalt  }
0x74: {  	_ =	shalt  }
0x75: {  	_ =	shalt  }
0x76: {  	_ =	shalt  }
0x77: {  	_ =	shalt  }
0x78: {  	_ =	shalt  }
0x79: {  	_ =	shalt  }
0x7a: {  	_ =	shalt  }
0x7b: {  	_ =	shalt  }
0x7c: {  	_ =	shalt  }
0x7d: {  	_ =	shalt  }
0x7e: {  	_ =	shalt  }
0x7f: {  	_ =	shalt  }
0x80: {  	_ =	shalt  }
0x81: {  	_ =	shalt  }
0x82: {  	_ =	shalt  }
0x83: {  	_ =	shalt  }
0x84: {  	_ =	shalt  }
0x85: {  	_ =	shalt  }
0x86: {  	_ =	shalt  }
0x87: {  	_ =	shalt  }
.Lfunc_end0:
.L_simem_size_0:
called_computation_lowered:
.L_overlay_start_0:
0x88: {  	s2 =	sld [smem:$0x3FD9]  }
0x89: {  	s3 =	sld [smem:$0x3FFE];
	_ =	sdelay $0x1  }
0x8a: {  	s1 =	srdreg.scid  }
0x8b: {  	s0 =	sand.u32 $0x1, s1  }
0x8c: {  	s14 =	sshll.u32 s0, $0xA;
	s2 =	sadd.s32 s3, s2  }
0x8d: {  	s2 =	sadd.s32 s2, s14  }
0x8e: {  	[smem:$0x3FC4] =	sst s2  }
0x8f: {  	_ = 	snop  }
0x90: {  	s2 =	sld [smem:$0x3FD0];
	_ =	sdelay $0x1  }
0x91: {  	s15 =	sld [smem:$0x3FC9]  }
0x92: {  	s5 =	simm.s32 $0xA;
	s6 =	simm.s32 $0x10;
	s4 =	sld [smem:$0x3FC6]  }
0x93: {  	[smem:s6], [sflag:s5] =	dma.local [hbm:s2], $0x1  }
0x94: {  	_ =	swait.eq [sflag:s5], $0x1  }
0x95: {  	[sflag:s5] =	ssyncset.done $0x0  }
0x96: {  	s16 =	sld [smem:$0x10];
	[sflag:s5] =	ssyncadd.s32 $0xFFFFFFFF  }
0x97: {  	s17 =	sld [smem:$0x11];
	(tm) =	ssettm $0x1  }
0x98: {  	s18 =	sld [smem:$0x3FFB];
	_ =	sdelay $0x3  }
0x99: {  	_ =	strace s18  }
0x9a: {  	s6 =	sld [smem:$0x3FFC];
	_ =	sdelay $0x3  }
0x9b: {  	_ =	strace s6  }
0x9c: {  	s6 =	sld [smem:$0x3FFD];
	_ =	sdelay $0x3  }
0x9d: {  	_ =	strace s6  }
0x9e: {  	_ =	strace $0x8FFFFFFF  }
0x9f: {  	s19 =	sld [smem:$0x3FDB];
	_ =	sdelay $0x1  }
0xa0: {  	s7 =	simm.s32 $_scs_section_size  }
0xa1: {  	s8 =	simm.s32 $_size__tile_overlayer_lowered;
	s9 =	simm.s32 $_tile_overlayer_lowered  }
0xa2: {  	s22 =	simm.s32 $0x1BFF;
	s21 =	sshll.u32 s9, $0x1;
	s6 =	sadd.s32 s7, s19  }
0xa3: {  	s10 =	simm.s32 $0x0;
	s20 =	sshll.u32 s8, $0x1;
	s8 =	sadd.s32 s21, s6  }
0xa4: {  	[timem:s10], [sflag:s22] =	dma.local [hbm:s8], s20  }
0xa5: {  	_ =	swait.ge [sflag:s22], s20  }
0xa6: {  	s7 =	ssub.s32 $0x0, s20;
	[sflag:s22] =	ssyncset.done $0x0  }
0xa7: {  	[sflag:s22] =	ssyncadd.s32 s7;
	_ =	sdelay $0x1  }
0xa8: {  	s23 =	simm.s32 $0x1B8B  }
0xa9: {  	_ =	swait.ge [sflag:s23], $0x1  }
0xaa: {  	[sflag:s23] =	ssyncset.done $0x0  }
0xab: {  	s25 =	simm.s32 $0x1B8E;
	s24 =	sld [smem:$0x3FFE];
	[sflag:s23] =	ssyncadd.s32 $0xFFFFFFFF  }
0xac: {  	s26 =	simm.s32 $execute0_lowered;
	[smem:$0x3FD2] =	sst s25  }
0xad: {  	s8 =	sshll.u32 s26, $0x1;
	_ =	strace $0x80000046;
	[dreg:$0x1] =	wrdreg $0xFFFFFFFF  }
0xae: {  	s28 =	simm.s32 $_size_execute0_lowered;
	s6 =	sadd.s32 s6, s8;
	[dreg:$0x0] =	wrdreg $0x0  }
0xaf: {  	s8 =	sshll.u32 s28, $0x1;
	[dreg:$0x2] =	wrdreg s6  }
0xb0: {  	[dreg:$0x3] =	wrdreg s8  }
0xb1: {  	[dreg:$0x4] =	wrdreg $0xC0  }
0xb2: {  	_ =	task [dreg:s10], $0x5FFFF  }
0xb3: {  	[dreg:$0x1] =	wrdreg $0xFFFFFFFF  }
0xb4: {  	[dreg:$0x0] =	wrdreg $0x60  }
0xb5: {  	[dreg:$0x2] =	wrdreg s15  }
0xb6: {  	[dreg:$0x3] =	wrdreg s24  }
0xb7: {  	[dreg:$0x4] =	wrdreg s4  }
0xb8: {  	[dreg:$0x5] =	wrdreg s16  }
0xb9: {  	[dreg:$0x6] =	wrdreg s17  }
0xba: {  	[dreg:$0x7] =	wrdreg $0xA8000  }
0xbb: {  	[dreg:$0x8] =	wrdreg $0x9  }
0xbc: {  	_ =	task.clear_ibuf [dreg:s10], $0x9FFFF;
	_ =	strace $0x90000046  }
0xbd: {  	s29 =	simm.s32 $0x9;
	_ =	strace $0x80000048  }
0xbe: {  	_ =	swait.ge [sflag:s29], $0x1  }
0xbf: {  	[sflag:s29] =	ssyncadd.s32 $0xFFFFFFFF  }
0xc0: {  	_ =	strace $0x90000048  }
0xc1: {  	_ =	sfence  }
0xc2: {  	s30 =	sld [smem:$0x0];
	_ =	sdelay $0x2  }
0xc3: {  	s31 =	sshll.u32 s1, $0xD;
	s1 =	sshrl.u32 s1, $0x2  }
0xc4: {  	s3 =	sand.u32 $0x4000, s31;
	s1 =	sadd.s32 s1, s30  }
0xc5: {  	s0 =	sor.u32 s3, s0;
	s1 =	sshll.u32 s1, $0x11  }
0xc6: {  	s0 =	sor.u32 s1, s0  }
0xc7: {  	s0 =	sadd.s32 $0x8F2B, s0  }
0xc8: {  	[sflag:s0] =	ssyncadd.remote.s32 $0x1  }
0xc9: {  	_ =	sfence.sel $0xFFFF  }
0xca: {  	[dreg:$0x0] =	wrdreg $0xFFFFFFFF;
	(pc) =	sbr.abs _section_cstart, $3  }
0xcb: {  	[dreg:$0x1] =	wrdreg $0xFFFFFFFF  }
0xcc: {  	_ =	task.clear_ibuf [dreg:s10], $0x2FFFF;
	_ =	strace $0x9FFFFFFF  }
0xcd: {  	(tm) =	ssettm $0x7FFFFFFF  }
tec
execute0_lowered:
.L_overlay_start_1:
0x0: {  	(tag) =	ssettag $0x1  }
0x1: {  	s1 =	rddreg [dreg:$0x0]  }
0x2: {  	s8 =	rddreg [dreg:$0x1]  }
0x3: {  	s2 =	rddreg [dreg:$0x2]  }
0x4: {  	s3 =	rddreg [dreg:$0x3]  }
0x5: {  	s4 =	rddreg [dreg:$0x4]  }
0x6: {  	s5 =	rddreg [dreg:$0x5]  }
0x7: {  	s7 =	simm.s32 $0x0;
	s9 =	srdreg.scid;
	s6 =	stileid.u32  }
0x8: {  	s18 =	simm.s32 $0x2;
	s19 =	simm.s32 $0x4000;
	s20 =	simm.s32 $0x50  }
0x9: {  	s21 =	simm.s32 $0x8000;
	s22 =	simm.s32 $0x1;
	s26 =	simm.s32 $0x1FC2  }
0xa: {  	s28 =	simm.s32 $0x0;
	[smem:$0x7FF] =	sst s7;
	s12 =	sand.u32 $0x1, s9  }
0xb: {  	s10 =	sshll.u32 s6, $0xB;
	s13 =	smul.u32 $0x4E000, s6;
	p0 =	seq.s32 s6, $0xF  }
0xc: {  	p3 =	sne.s32 s6, $0xF;
	s31 =	smul.u32 $0x2700, s6;
	s9 =	sshll.u32 s12, $0xF  }
0xd: {  	s11 =	ssub.s32 $0x2, s12;
	_ =	strace $0x80000047;
	p4 =	seq.s32 s12, $0x0  }
0xe: {  	p2 =	seq.s32 s12, $0x1;
	s16 =	sshll.u32 @!p0 s6, $0x6;
	s9 =	sor.u32 s10, s9  }
0xf: {  	s29 =	sshrl.u32 s11, $0x1;
	s30 =	sshrl.u32 s13, $0x2;
	p1 =	por !p4, !p3  }
0x10: {  	s12 =	sadd.s32 s3, s31;
	p4 =	por !p4, !p0;
	p5 =	por !p3, !p2  }
0x11: {  	s13 =	sadd.s32 s4, s31;
	s16 =	sor.u32 @!p0 $0x1C02, s16;
	s14 =	sadd.s32 s9, s8  }
0x12: {  	s15 =	ssub.s32 s11, s29;
	s8 =	sadd.s32 $0x124800, s5;
	s9 =	sadd.s32 s30, s5  }
.Ltmp0:
0x13: {  	p1 =	por !p1, !p1;
	p3 =	por !p4, !p4;
	(pc) =	sbr.rel .LBB2_1-.Ltmp0, $4  }
0x14: {  	p6 =	por !p5, !p5;
	s10 =	sadd.s32 $0x800, s14;
	s11 =	sadd.s32 $0x10800, s14  }
0x15: {  	s14 =	smax.u32 s15, $0x1;
	s15 =	sshrl.u32 @p0 s8, $0x3;
	p4 =	por !p6, p3  }
0x16: {  	s17 =	sshrl.u32 @!p0 s9, $0x3;
	s23 =	sshll.u32 @p1 s6, $0x6;
	s25 =	sshll.u32 @!p4 s6, $0x6  }
0x17: {  	s24 =	sshrl.u32 @p1 s9, $0x3;
	s23 =	sor.u32 @p1 $0x1C02, s23;
	s25 =	sor.u32 @!p4 $0x1C02, s25  }
.LBB2_5:
0x18: {  	s28 =	sadd.s32 $0x1, s28  }
0x19: {  	p5 =	sne.s32 s28, s14  }
.Ltmp1:
0x1a: {  	_ = 	snop;
	(pc) =	sbr.rel @!p5 .LBB2_6-.Ltmp1, $1  }
0x1b: {  	_ =	sdelay $0x3  }
.LBB2_1:
0x1c: {  	s29 =	simm.s32 @p0 $0x1FC2  }
0x1d: {  	[spmem:s15], [sflag:s29] =	dma.local @p0 [hbm:s2], $0x2800  }
0x1e: {  	s29 =	simm.s32 @p0 $0x2  }
0x1f: {  	_ =	swait.ge @p0 [sflag:s29], $0x2800  }
0x20: {  	[sflag:s29] =	ssyncset.done @p0 $0x0  }
0x21: {  	[sflag:s29] =	ssyncadd.s32 @p0 $0xFFFFD800;
	s29 =	simm.s32 @!p0 $0x2  }
0x22: {  	[spmem:s17], [sflag:s16] =	dma.local @!p0 [hbm:s2], $0x2700  }
0x23: {  	_ =	swait.ge @!p0 [sflag:s29], $0x2700  }
0x24: {  	[sflag:s29] =	ssyncset.done @!p0 $0x0  }
0x25: {  	[sflag:s29] =	ssyncadd.s32 @!p0 $0xFFFFD900  }
0x26: {  	[tilespmem:s7], [sflag:$0x2] =	stream.linear.gather [hbm4b:s10+s7], $0x3E80, $0x38;
	[tilespmem:$0x1E080] =	vst v63  }
0x27: {  	_ =	swait.ge [sflag:s18], $0x3E80  }
0x28: {  	[sflag:s18] =	ssyncset.done $0x0  }
0x29: {  	[sflag:s18] =	ssyncadd.s32 $0xFFFFC180  }
0x2a: {  	[tilespmem:s19], [sflag:$0x2] =	stream.linear.gather [hbm4b:s11+s7], $0x3E80, $0x38;
	[tilespmem:$0x1E080] =	vst v63  }
0x2b: {  	_ =	swait.ge [sflag:s18], $0x3E80  }
0x2c: {  	[sflag:s18] =	ssyncset.done $0x0  }
0x2d: {  	[sflag:s18] =	ssyncadd.s32 $0xFFFFC180  }
0x2e: {  	s29 =	simm.s32 $0x0;
	[bflag:$0x0] =	sbarrier.arrive $0xFFFF  }
0x2f: {  	[tilespmem:s21], [sflag:$0x1] =	stream.indirect.gather [hbm4b:s1+s20], $0x80, s29, s20, $0xb8;
	[tilespmem:$0x1E080] =	vst v63  }
0x30: {  	_ =	swait.ge [sflag:s22], $0x2800  }
0x31: {  	[sflag:s22] =	ssyncset.done $0x0  }
0x32: {  	s29 =	simm.s32 $0x4000;
	[sflag:s22] =	ssyncadd.s32 $0xFFFFD800  }
0x33: {  	[spmem:s5] =	stream.indirect.scatter.add.f32 [tilespmem:s21], [sflag:$0x2], $0x80, s29, s20, $0xb8;
	[tilespmem:$0x1E080] =	vst v63  }
0x34: {  	_ =	swait.ge [sflag:s18], $0x2800  }
0x35: {  	s30 =	simm.s32 $0x400;
	s29 =	simm.s32 $0x200;
	[sflag:s18] =	ssyncset.done $0x0  }
.LBB2_2:
0x36: {  	s31 =	sshra.s32 s29, $0x2  }
0x37: {  	[sflag:s18] =	ssyncadd.s32 $0xFFFFD800;
	s29 =	smov.u32 s30;
	s0 =	sadd.s32 $0x200, s30  }
0x38: {  	[tilespmem:s21], [sflag:$0x1] =	stream.indirect.gather [hbm4b:s1+s20], $0x80, s31, s20, $0xb8;
	[tilespmem:$0x1E080] =	vst v63  }
0x39: {  	p5 =	sne.s32 s30, $0xF800;
	_ =	swait.ge [sflag:s22], $0x2800  }
.Ltmp2:
0x3a: {  	[sflag:s22] =	ssyncset.done $0x0;
	(pc) =	sbr.rel @p5 .LBB2_2-.Ltmp2, $4  }
0x3b: {  	s30 =	sadd.s32 $0x4000, s31;
	[sflag:s22] =	ssyncadd.s32 $0xFFFFD800  }
0x3c: {  	[spmem:s5] =	stream.indirect.scatter.add.f32 [tilespmem:s21], [sflag:$0x2], $0x80, s30, s20, $0xb8;
	[tilespmem:$0x1E080] =	vst v63  }
0x3d: {  	_ =	swait.ge [sflag:s18], $0x2800  }
0x3e: {  	s30 =	smov.u32 s0;
	[sflag:s18] =	ssyncset.done $0x0  }
0x3f: {  	s0 =	sshra.s32 s29, $0x2;
	[sflag:s18] =	ssyncadd.s32 $0xFFFFD800  }
0x40: {  	[tilespmem:s21], [sflag:$0x1] =	stream.indirect.gather [hbm4b:s1+s20], $0x80, s0, s20, $0xb8;
	[tilespmem:$0x1E080] =	vst v63  }
0x41: {  	_ =	swait.ge [sflag:s22], $0x2800  }
0x42: {  	[sflag:s22] =	ssyncset.done $0x0  }
0x43: {  	s0 =	sadd.s32 $0x4000, s0;
	[sflag:s22] =	ssyncadd.s32 $0xFFFFD800  }
0x44: {  	[spmem:s5] =	stream.indirect.scatter.add.f32 [tilespmem:s21], [sflag:$0x2], $0x80, s0, s20, $0xb8;
	[tilespmem:$0x1E080] =	vst v63  }
0x45: {  	_ =	swait.ge [sflag:s18], $0x2800  }
0x46: {  	[sflag:s18] =	ssyncset.done $0x0  }
0x47: {  	p5 =	por @!p4 $0x1, $0x1;
	p6 =	por p2, p2;
	[sflag:s18] =	ssyncadd.s32 $0xFFFFD800  }
0x48: {  	p6 =	por @!p4 p5, p5;
	s0 =	simm.s32 @p1 $0x2;
	[bflag:$0x0] =	sbarrier.arrive $0xFFFF  }
0x49: {  	[hbm:s12], [sflag:s23] =	dma.local @p1 [spmem:s24], $0x2700  }
0x4a: {  	p5 =	por @!p3 !p6, !p0;
	_ =	swait.ge @p1 [sflag:s0], $0x2700  }
0x4b: {  	p5 =	por @!p3 !p5, !p5;
	[sflag:s0] =	ssyncset.done @p1 $0x0  }
0x4c: {  	p5 =	por p3, p5;
	[sflag:s0] =	ssyncadd.s32 @p1 $0xFFFFD900;
	s0 =	sshrl.u32 @!p4 s9, $0x3  }
0x4d: {  	[hbm:s13], [sflag:s25] =	dma.local @!p4 [spmem:s0], $0x2700  }
.Ltmp3:
0x4e: {  	_ = 	snop;
	(pc) =	sbr.rel @!p5 .LBB2_5-.Ltmp3, $4  }
0x4f: {  	s0 =	simm.s32 @!p4 $0x2  }
0x50: {  	_ =	swait.ge @!p4 [sflag:s0], $0x2700  }
0x51: {  	[sflag:s0] =	ssyncset.done @!p4 $0x0  }
0x52: {  	[sflag:s0] =	ssyncadd.s32 @!p4 $0xFFFFD900  }
0x53: {  	s0 =	smov.u32 s4  }
0x54: {  	s0 =	smov.u32 @p3 s3  }
.Ltmp4:
0x55: {  	s29 =	sshrl.u32 s8, $0x3;
	s0 =	sadd.s32 $0x24900, s0;
	(pc) =	sbr.rel .LBB2_5-.Ltmp4, $4  }
0x56: {  	[hbm:s0], [sflag:s26] =	dma.local [spmem:s29], $0x2800  }
0x57: {  	_ =	swait.ge [sflag:s18], $0x2800  }
0x58: {  	[sflag:s18] =	ssyncset.done $0x0  }
0x59: {  	[sflag:s18] =	ssyncadd.s32 $0xFFFFD800  }
.LBB2_6:
0x5a: {  	_ =	sfence.sel $0x180000  }
0x5b: {  	[bflag:$0x0] =	sbarrier.arrive $0xFFFF  }
0x5c: {  	_ =	strace $0x90000047  }
0x5d: {  	[bflag:$0x2] =	sbarrier.arrive $0xFFFF  }
0x5e: {  	p0 =	sne.s32 s6, $0x0;
	s0 =	rddreg [dreg:$0x6]  }
0x5f: {  	s0 =	sadd.s32 @!p0 $0x100000, s0  }
0x60: {  	[sflag:s0] =	ssyncadd.tile.s32 @!p0 $0x1;
	_ =	shalt  }
.Lfunc_end2:
_tile_overlayer_lowered:
.L_overlay_start_2:
0x61: {  	(tag) =	ssettag $0x2  }
0x62: {  	s0 =	rddreg [dreg:$0x0];
	s2 =	stileid.u32  }
0x63: {  	s1 =	rddreg [dreg:$0x1];
	p0 =	sne.s32 s2, $0x0  }
0x64: {  	s3 =	rddreg [dreg:$0x2];
	[bflag:$0x3] =	sbarrier.arrive $0xFFFF;
	s2 =	simm.s32 @!p0 $0x1C02  }
0x65: {  	[timem:s3], [sflag:s2] =	dma.local @!p0 [hbm:s0], s1  }
0x66: {  	s0 =	simm.s32 @!p0 $0x2  }
0x67: {  	_ =	swait.ge @!p0 [sflag:s0], s1  }
0x68: {  	s1 =	ssub.s32 @!p0 $0x0, s1;
	[sflag:s0] =	ssyncset.done @!p0 $0x0  }
0x69: {  	[sflag:s0] =	ssyncadd.s32 @!p0 s1  }
0x6a: {  	[bflag:$0x3] =	sbarrier.arrive $0xFFFF  }
0x6b: {  	_ =	shalt  }

</sc_bundles>
